<compile_context>
chip_gen: v7x
topology: tpu7x:2x2x1
jax: 0.10.2.dev20260603
libtpu: 0.0.44.dev20260713+nightly
codegen_flags: <defaults>
</compile_context>

<pallas_src>
import jax
import jax.numpy as jnp
from jax import lax
from jax.experimental import pallas as pl
from jax.experimental.pallas import tpu as pltpu
from jax.experimental.pallas import tpu_sc as plsc


_COLS_PER_BLOCK = 1024
_NC, _NS, _L = 2, 16, 16
_NW = _NC * _NS


def _gather_body(table_hbm, labels_hbm, out_hbm, lab_v, idx_v, rows_v, out_v, sem):
    b_per_w = lab_v.shape[0]
    wid = lax.axis_index("s") * _NC + lax.axis_index("c")
    base = wid * b_per_w
    pltpu.sync_copy(labels_hbm.at[pl.ds(base, b_per_w)], lab_v)
    iota = lax.iota(jnp.int32, _L)

    def addr_body(t, c):
        lv = lab_v[pl.ds(t * _L, _L)]
        cv = (
            lax.shift_left(lax.shift_right_logical(lv, 3), 10)
            + ((base + _L * t) // 128) * 8
            + lax.bitwise_and(lv, 7)
        )
        idx_v[pl.ds(t * _L, _L)] = jnp.broadcast_to(cv, (_L,))
        return c

    lax.fori_loop(0, b_per_w // _L, addr_body, 0)
    pltpu.async_copy(table_hbm.at[idx_v], rows_v, sem).wait()

    def diag_body(t, c):
        off0 = (base + _L * t) % 128
        dv = plsc.load_gather(rows_v, [t * _L + iota, off0 + iota])
        out_v[pl.ds(t * _L, _L)] = dv
        return c

    lax.fori_loop(0, b_per_w // _L, diag_body, 0)
    pltpu.sync_copy(out_v, out_hbm.at[pl.ds(base, b_per_w)])


def _sc_gather(table128, labels, n):
    b_per_w = n // _NW
    mesh = plsc.VectorSubcoreMesh(core_axis_name="c", subcore_axis_name="s")
    k = pl.kernel(
        _gather_body,
        mesh=mesh,
        out_type=jax.ShapeDtypeStruct((n,), jnp.float32),
        scratch_types=[
            pltpu.VMEM((b_per_w,), jnp.int32),
            pltpu.VMEM((b_per_w,), jnp.int32),
            pltpu.VMEM((b_per_w, 128), jnp.float32),
            pltpu.VMEM((b_per_w,), jnp.float32),
            pltpu.SemaphoreType.DMA,
        ],
        compiler_params=pltpu.CompilerParams(needs_layout_passes=False),
    )
    return k(table128, labels)


def _score_block(logits_ref, labels_ref, xl_ref, out_ref):
    x = logits_ref[...]
    lab = labels_ref[...]
    xl = xl_ref[...]
    row = jax.lax.broadcasted_iota(jnp.int32, x.shape, 0)
    m = jnp.max(x, axis=0, keepdims=True)
    e = jnp.exp(x - m)
    z = jnp.sum(e, axis=0, keepdims=True)
    mask = (x > xl) | ((x == xl) & (row <= lab))
    num = jnp.sum(jnp.where(mask, e, 0.0), axis=0, keepdims=True)
    out_ref[...] = num / z


@jax.jit
def kernel(logits, labels):
    n, c = logits.shape
    xt = logits.T
    lab1d = labels.astype(jnp.int32)
    table128 = (
        xt.reshape(c // 8, 8, n // 128, 128)
        .transpose(0, 2, 1, 3)
        .reshape(c * n // 128, 128)
    )
    xl = _sc_gather(table128, lab1d, n).reshape(1, n)
    lab2d = lab1d.reshape(1, n)
    bn = _COLS_PER_BLOCK
    out = pl.pallas_call(
        _score_block,
        grid=(n // bn,),
        in_specs=[
            pl.BlockSpec((c, bn), lambda j: (0, j)),
            pl.BlockSpec((1, bn), lambda j: (0, j)),
            pl.BlockSpec((1, bn), lambda j: (0, j)),
        ],
        out_specs=pl.BlockSpec((1, bn), lambda j: (0, j)),
        out_shape=jax.ShapeDtypeStruct((1, n), jnp.float32),
        compiler_params=pltpu.CompilerParams(
            dimension_semantics=("parallel",),
        ),
    )(xt, lab2d, xl)
    return out.reshape(n)

# --- scband reference (transcript-rebuilt; emitter-appended) ---
"""Pipeline reference for scband-conform-score-computer-20624432955865 (READ-ONLY COPY).

The authoritative reference and input builder live on the scoring server;
editing this copy changes nothing except your own understanding.
"""

import jax, jax.numpy as jnp
import numpy as np

def setup_inputs(seed: int = 0) -> dict:
    key = jax.random.key(seed)
    k1, k2 = jax.random.split(key)
    logits = jax.random.normal(k1, (16384, 1000), dtype=jnp.float32)
    labels = jax.random.randint(k2, (16384,), 0, 1000, dtype=jnp.int64)
    return {"logits": logits, "labels": labels}

def reference(logits, labels):
    # APS nonconformity score: cumulative sorted probability mass up to the true label's rank
    probs = jax.nn.softmax(logits, axis=-1)
    sorted_idx = jnp.argsort(-probs, axis=-1)  # descending order
    sorted_probs = jnp.take_along_axis(probs, sorted_idx, axis=-1)
    cum_probs = jnp.cumsum(sorted_probs, axis=-1)
    ranks = jnp.argmax(sorted_idx == labels[:, None], axis=-1)
    scores = jnp.take_along_axis(cum_probs, ranks[:, None], axis=-1)[:, 0]
    return scores

if __name__ == "__main__":
    import jax
    _d = setup_inputs()
    print(jax.jit(kernel)(*tuple(_d.values())))

</pallas_src>

<mosaic_0001>
#map = affine_map<(d0, d1) -> (0, 0)>
#map1 = affine_map<(d0, d1) -> (0)>
module attributes {stable_mosaic.version = 14 : i64} {
  func.func @_gather_body(%arg0: i32, %arg1: i32, %arg2: memref<128000x128xf32, #tpu.memory_space<hbm>>, %arg3: memref<16384xi32, #tpu.memory_space<hbm>>, %arg4: memref<16384xf32, #tpu.memory_space<hbm>>, %arg5: memref<512xi32, #tpu.memory_space<vmem>>, %arg6: memref<512xi32, #tpu.memory_space<vmem>>, %arg7: memref<512x128xf32, #tpu.memory_space<vmem>>, %arg8: memref<512xf32, #tpu.memory_space<vmem>>, %arg9: memref<!tpu.dma_semaphore, #tpu.memory_space<semaphore_mem>>) attributes {dimension_semantics = [#tpu.dimension_semantics<core_parallel>, #tpu.dimension_semantics<subcore_parallel>], iteration_bounds = array<i64: 2, 16>, scalar_prefetch = 0 : i64, scratch_operands = 5 : i64, tpu.core_type = #tpu.core_type<sc_vector_subcore>, window_params = [{transform_indices = #map}, {transform_indices = #map1}, {transform_indices = #map1}]} {
    %mul3A = arith.constant 2 : i32
    %mul3A_0 = arith.muli %arg1, %mul3A : i32
    %add3A = arith.addi %mul3A_0, %arg0 : i32
    %mul3A_1 = arith.constant 512 : i32
    %mul3A_2 = arith.muli %add3A, %mul3A_1 : i32
    "tpu.region"() ({
      %run_scoped3A = tpu.sem_alloc : memref<!tpu.dma_semaphore, #tpu.memory_space<semaphore_mem>>
      %dma_start3A_18 = tpu.memref_slice %arg3[%mul3A_2] : memref<16384xi32, #tpu.memory_space<hbm>> -> memref<512xi32, #tpu.memory_space<hbm>>
      %dma_start3A_19 = tpu.memref_slice %arg3[%mul3A_2] : memref<16384xi32, #tpu.memory_space<hbm>> -> memref<512xi32, #tpu.memory_space<hbm>>
      tpu.enqueue_dma source(%dma_start3A_19 : memref<512xi32, #tpu.memory_space<hbm>>) target(%arg5 : memref<512xi32, #tpu.memory_space<vmem>>) target_semaphore(%run_scoped3A : memref<!tpu.dma_semaphore, #tpu.memory_space<semaphore_mem>>)
      %dma_wait3A_20 = tpu.memref_slice %arg3[%mul3A_2] : memref<16384xi32, #tpu.memory_space<hbm>> -> memref<512xi32, #tpu.memory_space<hbm>>
      %dma_wait3A_21 = tpu.memref_slice %arg3[%mul3A_2] : memref<16384xi32, #tpu.memory_space<hbm>> -> memref<512xi32, #tpu.memory_space<hbm>>
      tpu.wait_dma2 semaphore(%run_scoped3A : memref<!tpu.dma_semaphore, #tpu.memory_space<semaphore_mem>>) src(%dma_wait3A_21 : memref<512xi32, #tpu.memory_space<hbm>>) dst(%arg5 : memref<512xi32, #tpu.memory_space<vmem>>)
      tpu.yield
    }) : () -> ()
    %iota3A = tpu.iota {dimensions = array<i32: 0>} : vector<16xi32>
    %scan3A = arith.constant 0 : i32
    %scan3A_3 = arith.constant 0 : i32
    %scan3A_4 = arith.constant 32 : i32
    %scan3A_5 = arith.addi %scan3A_3, %scan3A_4 : i32
    %scan3A_6 = arith.constant 1 : i32
    scf.for %scan3A_18 = %scan3A_3 to %scan3A_5 step %scan3A_6  : i32 {
      %mul3A_19 = arith.constant 16 : i32
      %mul3A_20 = arith.muli %scan3A_18, %mul3A_19 : i32
      %get3A = arith.index_cast %mul3A_20 : i32 to index
      %get3A_21 = tpu.vector_load %arg5[%get3A] {strides = array<i32>} : memref<512xi32, #tpu.memory_space<vmem>>, vector<16xi32>,
      %shift_right_logical3A = arith.constant 3 : i32
      %shift_right_logical3A_22 = vector.broadcast %shift_right_logical3A : i32 to vector<16xi32>
      %shift_right_logical3A_23 = arith.shrui %get3A_21, %shift_right_logical3A_22 : vector<16xi32>
      %shift_left3A = arith.constant 10 : i32
      %shift_left3A_24 = vector.broadcast %shift_left3A : i32 to vector<16xi32>
      %shift_left3A_25 = arith.shli %shift_right_logical3A_23, %shift_left3A_24 : vector<16xi32>
      %mul3A_26 = arith.constant 16 : i32
      %mul3A_27 = arith.muli %mul3A_26, %scan3A_18 : i32
      %add3A_28 = arith.addi %mul3A_2, %mul3A_27 : i32
      %jit3A = arith.constant 128 : i32
      %div3A = arith.divsi %add3A_28, %jit3A : i32
      %sign3A = arith.constant 0 : i32
      %sign3A_29 = arith.cmpi sgt, %add3A_28, %sign3A : i32
      %sign3A_30 = arith.extui %sign3A_29 : i1 to i32
      %sign3A_31 = arith.constant 0 : i32
      %sign3A_32 = arith.cmpi slt, %add3A_28, %sign3A_31 : i32
      %sign3A_33 = arith.extui %sign3A_32 : i1 to i32
      %sign3A_34 = arith.subi %sign3A_30, %sign3A_33 : i32
      %sign3A_35 = arith.constant 0 : i32
      %sign3A_36 = arith.cmpi sgt, %jit3A, %sign3A_35 : i32
      %sign3A_37 = arith.extui %sign3A_36 : i1 to i32
      %sign3A_38 = arith.constant 0 : i32
      %sign3A_39 = arith.cmpi slt, %jit3A, %sign3A_38 : i32
      %sign3A_40 = arith.extui %sign3A_39 : i1 to i32
      %sign3A_41 = arith.subi %sign3A_37, %sign3A_40 : i32
      %ne3A = arith.cmpi ne, %sign3A_34, %sign3A_41 : i32
      %rem3A = arith.remsi %add3A_28, %jit3A : i32
      %ne3A_42 = arith.constant 0 : i32
      %ne3A_43 = arith.cmpi ne, %rem3A, %ne3A_42 : i32
      %and3A = arith.andi %ne3A, %ne3A_43 : i1
      %sub3A = arith.constant 1 : i32
      %sub3A_44 = arith.subi %div3A, %sub3A : i32
      %select_n3A = arith.select %and3A, %sub3A_44, %div3A : i32
      %mul3A_45 = arith.constant 8 : i32
      %mul3A_46 = arith.muli %select_n3A, %mul3A_45 : i32
      %add3A_47 = vector.broadcast %mul3A_46 : i32 to vector<16xi32>
      %add3A_48 = arith.addi %shift_left3A_25, %add3A_47 : vector<16xi32>
      %and3A_49 = arith.constant 7 : i32
      %and3A_50 = vector.broadcast %and3A_49 : i32 to vector<16xi32>
      %and3A_51 = arith.andi %get3A_21, %and3A_50 : vector<16xi32>
      %add3A_52 = arith.addi %add3A_48, %and3A_51 : vector<16xi32>
      %mul3A_53 = arith.constant 16 : i32
      %mul3A_54 = arith.muli %scan3A_18, %mul3A_53 : i32
      %swap3A = arith.index_cast %mul3A_54 : i32 to index
      %swap3A_55 = tpu.vector_load %arg6[%swap3A] {strides = array<i32>} : memref<512xi32, #tpu.memory_space<vmem>>, vector<16xi32>,
      tpu.vector_store %arg6[%swap3A], %add3A_52 {strides = array<i32>} : memref<512xi32, #tpu.memory_space<vmem>>, vector<16xi32>,
    }
    %scan3A_7 = arith.constant 32 : i32
    %dma_start3A = arith.constant 0 : i32
    %dma_start3A_8 = arith.constant 0 : i32
    %dma_start3A_9 = tpu.memref_slice %arg2[%dma_start3A, %dma_start3A_8] : memref<128000x128xf32, #tpu.memory_space<hbm>> -> memref<128000x128xf32, #tpu.memory_space<hbm>>
    tpu.enqueue_indirect_dma source(%dma_start3A_9 : memref<128000x128xf32, #tpu.memory_space<hbm>>) target(%arg7 : memref<512x128xf32, #tpu.memory_space<vmem>>) offsets(%arg6 : memref<512xi32, #tpu.memory_space<vmem>>) semaphore(%arg9 : memref<!tpu.dma_semaphore, #tpu.memory_space<semaphore_mem>>)
    %dma_wait3A = arith.constant 0 : i32
    %dma_wait3A_10 = arith.constant 0 : i32
    %dma_wait3A_11 = tpu.memref_slice %arg2[%dma_wait3A, %dma_wait3A_10] : memref<128000x128xf32, #tpu.memory_space<hbm>> -> memref<128000x128xf32, #tpu.memory_space<hbm>>
    tpu.wait_indirect_dma semaphore(%arg9 : memref<!tpu.dma_semaphore, #tpu.memory_space<semaphore_mem>>) src(%dma_wait3A_11 : memref<128000x128xf32, #tpu.memory_space<hbm>>) dst(%arg7 : memref<512x128xf32, #tpu.memory_space<vmem>>)
    %scan3A_12 = arith.constant 0 : i32
    %scan3A_13 = arith.constant 0 : i32
    %scan3A_14 = arith.constant 32 : i32
    %scan3A_15 = arith.addi %scan3A_13, %scan3A_14 : i32
    %scan3A_16 = arith.constant 1 : i32
    scf.for %scan3A_18 = %scan3A_13 to %scan3A_15 step %scan3A_16  : i32 {
      %mul3A_19 = arith.constant 16 : i32
      %mul3A_20 = arith.muli %mul3A_19, %scan3A_18 : i32
      %add3A_21 = arith.addi %mul3A_2, %mul3A_20 : i32
      %jit3A = arith.constant 128 : i32
      %eq3A = arith.constant 0 : i32
      %eq3A_22 = arith.cmpi eq, %jit3A, %eq3A : i32
      %jit3A_23 = arith.constant 1 : i32
      %select_n3A = arith.select %eq3A_22, %jit3A_23, %jit3A : i32
      %rem3A = arith.remsi %add3A_21, %select_n3A : i32
      %ne3A = arith.constant 0 : i32
      %ne3A_24 = arith.cmpi ne, %rem3A, %ne3A : i32
      %lt3A = arith.constant 0 : i32
      %lt3A_25 = arith.cmpi slt, %rem3A, %lt3A : i32
      %lt3A_26 = arith.constant 0 : i32
      %lt3A_27 = arith.cmpi slt, %select_n3A, %lt3A_26 : i32
      %ne3A_28 = arith.xori %lt3A_25, %lt3A_27 : i1
      %and3A = arith.andi %ne3A_28, %ne3A_24 : i1
      %add3A_29 = arith.addi %rem3A, %select_n3A : i32
      %select_n3A_30 = arith.select %and3A, %add3A_29, %rem3A : i32
      %mul3A_31 = arith.constant 16 : i32
      %mul3A_32 = arith.muli %scan3A_18, %mul3A_31 : i32
      %add3A_33 = vector.broadcast %mul3A_32 : i32 to vector<16xi32>
      %add3A_34 = arith.addi %add3A_33, %iota3A : vector<16xi32>
      %add3A_35 = vector.broadcast %select_n3A_30 : i32 to vector<16xi32>
      %add3A_36 = arith.addi %add3A_35, %iota3A : vector<16xi32>
      %gather3A = tpu.vector_load_idx %arg7[%add3A_34, %add3A_36] : memref<512x128xf32, #tpu.memory_space<vmem>>[vector<16xi32>, vector<16xi32>], vector<16xf32>,
      %mul3A_37 = arith.constant 16 : i32
      %mul3A_38 = arith.muli %scan3A_18, %mul3A_37 : i32
      %swap3A = arith.index_cast %mul3A_38 : i32 to index
      %swap3A_39 = tpu.vector_load %arg8[%swap3A] {strides = array<i32>} : memref<512xf32, #tpu.memory_space<vmem>>, vector<16xf32>,
      tpu.vector_store %arg8[%swap3A], %gather3A {strides = array<i32>} : memref<512xf32, #tpu.memory_space<vmem>>, vector<16xf32>,
    }
    %scan3A_17 = arith.constant 32 : i32
    "tpu.region"() ({
      %run_scoped3A = tpu.sem_alloc : memref<!tpu.dma_semaphore, #tpu.memory_space<semaphore_mem>>
      %dma_start3A_18 = tpu.memref_slice %arg4[%mul3A_2] : memref<16384xf32, #tpu.memory_space<hbm>> -> memref<512xf32, #tpu.memory_space<hbm>>
      %dma_start3A_19 = tpu.memref_slice %arg4[%mul3A_2] : memref<16384xf32, #tpu.memory_space<hbm>> -> memref<512xf32, #tpu.memory_space<hbm>>
      tpu.enqueue_dma source(%arg8 : memref<512xf32, #tpu.memory_space<vmem>>) target(%dma_start3A_19 : memref<512xf32, #tpu.memory_space<hbm>>) target_semaphore(%run_scoped3A : memref<!tpu.dma_semaphore, #tpu.memory_space<semaphore_mem>>)
      %dma_wait3A_20 = tpu.memref_slice %arg4[%mul3A_2] : memref<16384xf32, #tpu.memory_space<hbm>> -> memref<512xf32, #tpu.memory_space<hbm>>
      %dma_wait3A_21 = tpu.memref_slice %arg4[%mul3A_2] : memref<16384xf32, #tpu.memory_space<hbm>> -> memref<512xf32, #tpu.memory_space<hbm>>
      tpu.wait_dma2 semaphore(%run_scoped3A : memref<!tpu.dma_semaphore, #tpu.memory_space<semaphore_mem>>) src(%arg8 : memref<512xf32, #tpu.memory_space<vmem>>) dst(%dma_wait3A_21 : memref<512xf32, #tpu.memory_space<hbm>>)
      tpu.yield
    }) : () -> ()
    return
  }
}

module attributes {stable_mosaic.version = 14 : i64} {
  func.func @_score_block(%arg0: i32, %arg1: memref<1000x1024xf32, #tpu.memory_space<vmem>>, %arg2: memref<1x1024xi32, #tpu.memory_space<vmem>>, %arg3: memref<1x1024xf32, #tpu.memory_space<vmem>>, %arg4: memref<1x1024xf32, #tpu.memory_space<vmem>>) attributes {dimension_semantics = [#tpu.dimension_semantics<parallel>], iteration_bounds = array<i64: 16>, scalar_prefetch = 0 : i64, scratch_operands = 0 : i64, tpu.core_type = #tpu.core_type<tc>, window_params = [{transform_indices = @transform_0, window_bounds = array<i64: 1000, 1024>}, {transform_indices = @transform_1, window_bounds = array<i64: 1, 1024>}, {transform_indices = @transform_2, window_bounds = array<i64: 1, 1024>}, {transform_indices = @transform_3, window_bounds = array<i64: 1, 1024>}]} {
    %get3A = arith.constant 0 : index
    %get3A_0 = arith.constant 0 : index
    %get3A_1 = vector.load %arg1[%get3A, %get3A_0] : memref<1000x1024xf32, #tpu.memory_space<vmem>>, vector<1000x1024xf32>
    %get3A_2 = arith.constant 0 : index
    %get3A_3 = arith.constant 0 : index
    %get3A_4 = vector.load %arg2[%get3A_2, %get3A_3] : memref<1x1024xi32, #tpu.memory_space<vmem>>, vector<1x1024xi32>
    %get3A_5 = arith.constant 0 : index
    %get3A_6 = arith.constant 0 : index
    %get3A_7 = vector.load %arg3[%get3A_5, %get3A_6] : memref<1x1024xf32, #tpu.memory_space<vmem>>, vector<1x1024xf32>
    %iota3A = tpu.iota {dimensions = array<i32: 0>} : vector<1000x1024xi32>
    %reduce_max3A = arith.constant dense<0xFF800000> : vector<1024xf32>
    %reduce_max3A_8 = vector.multi_reduction <maximumf>, %get3A_1, %reduce_max3A [0] : vector<1000x1024xf32> to vector<1024xf32>
    %broadcast_in_dim3A = vector.shape_cast %reduce_max3A_8 : vector<1024xf32> to vector<1x1024xf32>
    %sub3A = vector.broadcast %broadcast_in_dim3A : vector<1x1024xf32> to vector<1000x1024xf32>
    %sub3A_9 = arith.subf %get3A_1, %sub3A : vector<1000x1024xf32>
    %exp3A = math.exp %sub3A_9 : vector<1000x1024xf32>
    %reduce_sum3A = arith.constant dense<0.000000e+00> : vector<1024xf32>
    %reduce_sum3A_10 = vector.multi_reduction <add>, %exp3A, %reduce_sum3A [0] : vector<1000x1024xf32> to vector<1024xf32>
    %broadcast_in_dim3A_11 = vector.shape_cast %reduce_sum3A_10 : vector<1024xf32> to vector<1x1024xf32>
    %gt3A = vector.broadcast %get3A_7 : vector<1x1024xf32> to vector<1000x1024xf32>
    %gt3A_12 = arith.cmpf ogt, %get3A_1, %gt3A : vector<1000x1024xf32>
    %eq3A = vector.broadcast %get3A_7 : vector<1x1024xf32> to vector<1000x1024xf32>
    %eq3A_13 = arith.cmpf oeq, %get3A_1, %eq3A : vector<1000x1024xf32>
    %le3A = vector.broadcast %get3A_4 : vector<1x1024xi32> to vector<1000x1024xi32>
    %le3A_14 = arith.cmpi sle, %iota3A, %le3A : vector<1000x1024xi32>
    %and3A = arith.andi %eq3A_13, %le3A_14 : vector<1000x1024xi1>
    %or3A = arith.ori %gt3A_12, %and3A : vector<1000x1024xi1>
    %jit3A = arith.constant 0.000000e+00 : f32
    %broadcast_in_dim3A_15 = vector.broadcast %jit3A : f32 to vector<1000x1024xf32>
    %select_n3A = arith.select %or3A, %exp3A, %broadcast_in_dim3A_15 : vector<1000x1024xi1>, vector<1000x1024xf32>
    %reduce_sum3A_16 = arith.constant dense<0.000000e+00> : vector<1024xf32>
    %reduce_sum3A_17 = vector.multi_reduction <add>, %select_n3A, %reduce_sum3A_16 [0] : vector<1000x1024xf32> to vector<1024xf32>
    %broadcast_in_dim3A_18 = vector.shape_cast %reduce_sum3A_17 : vector<1024xf32> to vector<1x1024xf32>
    %div3A = arith.divf %broadcast_in_dim3A_18, %broadcast_in_dim3A_11 : vector<1x1024xf32>
    %swap3A = arith.constant 0 : index
    %swap3A_19 = arith.constant 0 : index
    %swap3A_20 = vector.load %arg4[%swap3A, %swap3A_19] : memref<1x1024xf32, #tpu.memory_space<vmem>>, vector<1x1024xf32>
    tpu.vector_store %arg4[%swap3A, %swap3A_19], %div3A {strides = array<i32>} : memref<1x1024xf32, #tpu.memory_space<vmem>>, vector<1x1024xf32>,
    return
  }
  func.func @transform_0(%arg0: i32) -> (i32, i32) {
    %c0_i32 = arith.constant 0 : i32
    %c0_i32_0 = arith.constant 0 : i32
    return %c0_i32, %arg0 : i32, i32
  }
  func.func @transform_1(%arg0: i32) -> (i32, i32) {
    %c0_i32 = arith.constant 0 : i32
    %c0_i32_0 = arith.constant 0 : i32
    return %c0_i32, %arg0 : i32, i32
  }
  func.func @transform_2(%arg0: i32) -> (i32, i32) {
    %c0_i32 = arith.constant 0 : i32
    %c0_i32_0 = arith.constant 0 : i32
    return %c0_i32, %arg0 : i32, i32
  }
  func.func @transform_3(%arg0: i32) -> (i32, i32) {
    %c0_i32 = arith.constant 0 : i32
    %c0_i32_0 = arith.constant 0 : i32
    return %c0_i32, %arg0 : i32, i32
  }
}

</mosaic_0001>

<sc_bundles>
// kernel: kernel.4.cloned.1.call-start
scs
__scs_entry_jumppad:
0x0: {  	(pc) =	sbr.rel $0x88, $3  }
0x1: {  	(tag) =	ssettag $0x0;
	lr =	simm.s32 $0x1  }
0x2: {  	[smem:$0x3F9F] =	sst lr;
	_ =	strace $0xD0000000  }
0x3: {  	_ = 	snop  }
0x4: {  	_ = 	snop  }
0x5: {  	_ = 	snop  }
0x6: {  	_ = 	snop  }
0x7: {  	_ = 	snop  }
__scs_overlays_trampoline_lowered:
0x8: {  	[smem:$0x3FAE] =	sst s0  }
0x9: {  	[smem:$0x3FAF] =	sst s1  }
0xa: {  	[smem:$0x3FB0] =	sst s2  }
0xb: {  	[smem:$0x3FB1] =	sst s3  }
0xc: {  	[smem:$0x3FB2] =	sst s4  }
0xd: {  	[smem:$0x3FB3] =	sst s5  }
0xe: {  	[smem:$0x3FB4] =	sst s6  }
0xf: {  	[smem:$0x3FB5] =	sst s7  }
0x10: {  	[smem:$0x3FB6] =	sst s8  }
0x11: {  	[smem:$0x3FB7] =	sst s9;
	s0 =	simm.s32 @!p0 $0x0  }
0x12: {  	s1 =	sld [smem:$0x3F9D];
	s0 =	simm.s32 @p0 $0x1  }
0x13: {  	[smem:$0x3FB8] =	sst s0;
	s0 =	simm.s32 @!p1 $0x0  }
0x14: {  	s2 =	sld [smem:$0x3F9C];
	s0 =	simm.s32 @p1 $0x1  }
0x15: {  	[smem:$0x3FB9] =	sst s0;
	s0 =	simm.s32 @!p2 $0x0  }
0x16: {  	s3 =	sld [smem:$0x3FDB];
	s0 =	simm.s32 @p2 $0x1  }
0x17: {  	s4 =	simm.s32 $0x1BF5;
	[smem:$0x3FBB] =	sst s0  }
0x18: {  	s0 =	sld [smem:$0x3F9E];
	_ =	swait.ge [sflag:s4], $0x0  }
0x19: {  	s7 =	sld [smem:$0x3F9F]  }
0x1a: {  	s8 =	sadd.s32 $0xFFFFE003, lr  }
0x1b: {  	s9 =	sadd.s32 $0xFFFFFEF7, lr;
	s5 =	simm.s32 $0xFFFFFFFF;
	p2 =	slt.u32 s8, $0xFFFFF086  }
0x1c: {  	p1 =	slt.u32 s9, $0xF7A;
	s5 =	simm.s32 @!p2 $0x0  }
0x1d: {  	s5 =	simm.s32 @p1 $0x1;
	p0 =	seq.s32 s7, s2  }
0x1e: {  	s7 =	smul.u32 @!p0 $0xF7A, s2;
	p2 =	seq.s32 @!p0 s5, $0x0  }
0x1f: {  	s9 =	smul.u32 $0xF7A, s1;
	s8 =	simm.s32 @!p0 $0x1BF5;
	p2 =	por !p2, p0  }
0x20: {  	[sflag:s8] =	ssyncset.s32 @!p0 $0xFFFFF086;
	s6 =	sadd.s32 @!p0 s3, s7;
	s7 =	simm.s32 @!p0 $0x108  }
0x21: {  	s3 =	sadd.s32 s3, s9;
	s6 =	sadd.s32 @!p0 $0x88, s6;
	s7 =	simm.s32 @p2 $0x1082  }
0x22: {  	[simem:s7], [sflag:s8] =	dma.local @!p0 [hbm:s6], $0xF7A  }
0x23: {  	s9 =	sor.u32 $0xD0000000, s2;
	s6 =	simm.s32 $0x108;
	_ =	swait.ge @!p0 [sflag:s8], $0x0  }
0x24: {  	s3 =	sadd.s32 $0x88, s3;
	s6 =	simm.s32 @!p1 $0x1082;
	[sflag:s4] =	ssyncset.s32 $0xFFFFF086  }
0x25: {  	[simem:s6], [sflag:s4] =	dma.local [hbm:s3], $0xF7A  }
0x26: {  	[smem:$0x3F9F] =	sst s1;
	(tag) =	ssettag s2;
	_ =	strace s9  }
0x27: {  	s1 =	sld [smem:$0x3FAF]  }
0x28: {  	s2 =	sld [smem:$0x3FB0]  }
0x29: {  	s4 =	sld [smem:$0x3FB2]  }
0x2a: {  	p0 =	seq.s32 s5, $0x0;
	s5 =	sld [smem:$0x3FB3]  }
0x2b: {  	s6 =	sld [smem:$0x3FB4]  }
0x2c: {  	s7 =	sld [smem:$0x3FB5]  }
0x2d: {  	s3 =	simm.s32 $0x108;
	s8 =	sld [smem:$0x3FB6]  }
0x2e: {  	s3 =	simm.s32 @!p0 $0x1082;
	s9 =	sld [smem:$0x3FB7]  }
0x2f: {  	lr =	sadd.s32 s0, s3;
	s0 =	sld [smem:$0x3FAE]  }
0x30: {  	s3 =	sld [smem:$0x3FB1]  }
0x31: {  	[smem:$0x3FBA] =	sst s10  }
0x32: {  	s10 =	sld [smem:$0x3FB8];
	_ =	sdelay $0x3  }
0x33: {  	p0 =	seq.s32 s10, $0x1;
	s10 =	sld [smem:$0x3FBA];
	_ =	sdelay $0x3  }
0x34: {  	[smem:$0x3FBA] =	sst s10  }
0x35: {  	s10 =	sld [smem:$0x3FB9];
	_ =	sdelay $0x3  }
0x36: {  	p1 =	seq.s32 s10, $0x1;
	s10 =	sld [smem:$0x3FBA];
	_ =	sdelay $0x3  }
0x37: {  	[smem:$0x3FBA] =	sst s10  }
0x38: {  	s10 =	sld [smem:$0x3FBB]  }
0x39: {  	_ = 	snop;
	(pc) =	sbr.ind lr, $3  }
0x3a: {  	_ = 	snop  }
0x3b: {  	_ = 	snop  }
0x3c: {  	p2 =	seq.s32 s10, $0x1;
	s10 =	sld [smem:$0x3FBA]  }
0x3d: {  	_ =	shalt  }
0x3e: {  	_ =	shalt  }
0x3f: {  	_ =	shalt  }
0x40: {  	_ =	shalt  }
0x41: {  	_ =	shalt  }
0x42: {  	_ =	shalt  }
0x43: {  	_ =	shalt  }
0x44: {  	_ =	shalt  }
0x45: {  	_ =	shalt  }
0x46: {  	_ =	shalt  }
0x47: {  	_ =	shalt  }
0x48: {  	_ =	shalt  }
0x49: {  	_ =	shalt  }
0x4a: {  	_ =	shalt  }
0x4b: {  	_ =	shalt  }
0x4c: {  	_ =	shalt  }
0x4d: {  	_ =	shalt  }
0x4e: {  	_ =	shalt  }
0x4f: {  	_ =	shalt  }
0x50: {  	_ =	shalt  }
0x51: {  	_ =	shalt  }
0x52: {  	_ =	shalt  }
0x53: {  	_ =	shalt  }
0x54: {  	_ =	shalt  }
0x55: {  	_ =	shalt  }
0x56: {  	_ =	shalt  }
0x57: {  	_ =	shalt  }
0x58: {  	_ =	shalt  }
0x59: {  	_ =	shalt  }
0x5a: {  	_ =	shalt  }
0x5b: {  	_ =	shalt  }
0x5c: {  	_ =	shalt  }
0x5d: {  	_ =	shalt  }
0x5e: {  	_ =	shalt  }
0x5f: {  	_ =	shalt  }
0x60: {  	_ =	shalt  }
0x61: {  	_ =	shalt  }
0x62: {  	_ =	shalt  }
0x63: {  	_ =	shalt  }
0x64: {  	_ =	shalt  }
0x65: {  	_ =	shalt  }
0x66: {  	_ =	shalt  }
0x67: {  	_ =	shalt  }
0x68: {  	_ =	shalt  }
0x69: {  	_ =	shalt  }
0x6a: {  	_ =	shalt  }
0x6b: {  	_ =	shalt  }
0x6c: {  	_ =	shalt  }
0x6d: {  	_ =	shalt  }
0x6e: {  	_ =	shalt  }
0x6f: {  	_ =	shalt  }
0x70: {  	_ =	shalt  }
0x71: {  	_ =	shalt  }
0x72: {  	_ =	shalt  }
0x73: {  	_ =	shalt  }
0x74: {  	_ =	shalt  }
0x75: {  	_ =	shalt  }
0x76: {  	_ =	shalt  }
0x77: {  	_ =	shalt  }
0x78: {  	_ =	shalt  }
0x79: {  	_ =	shalt  }
0x7a: {  	_ =	shalt  }
0x7b: {  	_ =	shalt  }
0x7c: {  	_ =	shalt  }
0x7d: {  	_ =	shalt  }
0x7e: {  	_ =	shalt  }
0x7f: {  	_ =	shalt  }
0x80: {  	_ =	shalt  }
0x81: {  	_ =	shalt  }
0x82: {  	_ =	shalt  }
0x83: {  	_ =	shalt  }
0x84: {  	_ =	shalt  }
0x85: {  	_ =	shalt  }
0x86: {  	_ =	shalt  }
0x87: {  	_ =	shalt  }
.Lfunc_end0:
.L_simem_size_0:
called_computation_lowered:
.L_overlay_start_0:
0x88: {  	s2 =	sld [smem:$0x3FD9]  }
0x89: {  	s3 =	sld [smem:$0x3FFE];
	_ =	sdelay $0x1  }
0x8a: {  	s1 =	srdreg.scid  }
0x8b: {  	s0 =	sand.u32 $0x1, s1  }
0x8c: {  	s18 =	sshll.u32 s0, $0xA;
	s2 =	sadd.s32 s3, s2  }
0x8d: {  	s2 =	sadd.s32 s2, s18  }
0x8e: {  	[smem:$0x3FC6] =	sst s2  }
0x8f: {  	_ = 	snop  }
0x90: {  	s2 =	sld [smem:$0x3FC9]  }
0x91: {  	s19 =	sld [smem:$0x3FC8]  }
0x92: {  	s4 =	sld [smem:$0x3FD0];
	(tm) =	ssettm $0x1  }
0x93: {  	s5 =	sld [smem:$0x3FFB];
	_ =	sdelay $0x3  }
0x94: {  	_ =	strace s5  }
0x95: {  	s5 =	sld [smem:$0x3FFC];
	_ =	sdelay $0x3  }
0x96: {  	_ =	strace s5  }
0x97: {  	s5 =	sld [smem:$0x3FFD];
	_ =	sdelay $0x3  }
0x98: {  	_ =	strace s5  }
0x99: {  	_ =	strace $0x8FFFFFFF  }
0x9a: {  	s20 =	sld [smem:$0x3FDB];
	_ =	sdelay $0x1  }
0x9b: {  	s6 =	simm.s32 $_scs_section_size  }
0x9c: {  	s7 =	simm.s32 $_size__tile_overlayer_lowered;
	s8 =	simm.s32 $_tile_overlayer_lowered  }
0x9d: {  	s23 =	simm.s32 $0x1BFF;
	s22 =	sshll.u32 s8, $0x1;
	s5 =	sadd.s32 s6, s20  }
0x9e: {  	s9 =	simm.s32 $0x0;
	s21 =	sshll.u32 s7, $0x1;
	s7 =	sadd.s32 s22, s5  }
0x9f: {  	[timem:s9], [sflag:s23] =	dma.local [hbm:s7], s21  }
0xa0: {  	_ =	swait.ge [sflag:s23], s21  }
0xa1: {  	s6 =	ssub.s32 $0x0, s21;
	[sflag:s23] =	ssyncset.done $0x0  }
0xa2: {  	[sflag:s23] =	ssyncadd.s32 s6;
	_ =	sdelay $0x1  }
0xa3: {  	s24 =	simm.s32 $0x1B8B  }
0xa4: {  	_ =	swait.ge [sflag:s24], $0x1  }
0xa5: {  	[sflag:s24] =	ssyncset.done $0x0  }
0xa6: {  	s25 =	simm.s32 $0x1B8E;
	[sflag:s24] =	ssyncadd.s32 $0xFFFFFFFF  }
0xa7: {  	s26 =	simm.s32 $execute0_lowered;
	[smem:$0x3FD2] =	sst s25  }
0xa8: {  	s6 =	sshll.u32 s26, $0x1;
	_ =	strace $0x80000046;
	[dreg:$0x1] =	wrdreg $0xFFFFFFFF  }
0xa9: {  	s28 =	simm.s32 $_size_execute0_lowered;
	s5 =	sadd.s32 s5, s6;
	[dreg:$0x0] =	wrdreg $0x0  }
0xaa: {  	s6 =	sshll.u32 s28, $0x1;
	[dreg:$0x2] =	wrdreg s5  }
0xab: {  	[dreg:$0x3] =	wrdreg s6  }
0xac: {  	[dreg:$0x4] =	wrdreg $0xC0  }
0xad: {  	_ =	task [dreg:s9], $0x5FFFF  }
0xae: {  	[dreg:$0x1] =	wrdreg $0xFFFFFFFF  }
0xaf: {  	[dreg:$0x0] =	wrdreg $0x60  }
0xb0: {  	[dreg:$0x2] =	wrdreg s2  }
0xb1: {  	[dreg:$0x3] =	wrdreg s19  }
0xb2: {  	[dreg:$0x4] =	wrdreg s4  }
0xb3: {  	[dreg:$0x5] =	wrdreg $0x9  }
0xb4: {  	_ =	task.clear_ibuf [dreg:s9], $0x6FFFF;
	_ =	strace $0x90000046  }
0xb5: {  	s29 =	simm.s32 $0x9;
	_ =	strace $0x80000048  }
0xb6: {  	_ =	swait.ge [sflag:s29], $0x1  }
0xb7: {  	[sflag:s29] =	ssyncadd.s32 $0xFFFFFFFF  }
0xb8: {  	_ =	strace $0x90000048  }
0xb9: {  	_ =	sfence  }
0xba: {  	s30 =	sld [smem:$0x0];
	_ =	sdelay $0x2  }
0xbb: {  	s31 =	sshll.u32 s1, $0xD;
	s1 =	sshrl.u32 s1, $0x2  }
0xbc: {  	s3 =	sand.u32 $0x4000, s31;
	s1 =	sadd.s32 s1, s30  }
0xbd: {  	s0 =	sor.u32 s3, s0;
	s1 =	sshll.u32 s1, $0x11  }
0xbe: {  	s0 =	sor.u32 s1, s0  }
0xbf: {  	s0 =	sadd.s32 $0x8F2B, s0  }
0xc0: {  	[sflag:s0] =	ssyncadd.remote.s32 $0x1  }
0xc1: {  	_ =	sfence.sel $0xFFFF  }
0xc2: {  	[dreg:$0x0] =	wrdreg $0xFFFFFFFF;
	(pc) =	sbr.abs _section_cstart, $3  }
0xc3: {  	[dreg:$0x1] =	wrdreg $0xFFFFFFFF  }
0xc4: {  	_ =	task.clear_ibuf [dreg:s9], $0x2FFFF;
	_ =	strace $0x9FFFFFFF  }
0xc5: {  	(tm) =	ssettm $0x7FFFFFFF  }
tec
execute0_lowered:
.L_overlay_start_1:
0x0: {  	(tag) =	ssettag $0x1  }
0x1: {  	s1 =	rddreg [dreg:$0x0]  }
0x2: {  	s5 =	rddreg [dreg:$0x1]  }
0x3: {  	s6 =	rddreg [dreg:$0x2]  }
0x4: {  	s0 =	rddreg [dreg:$0x3];
	s4 =	srdreg.scid  }
0x5: {  	s3 =	simm.s32 $0x0;
	s2 =	stileid.u32;
	s10 =	simm.s32 $0x200  }
0x6: {  	s11 =	simm.s32 $0x400;
	s12 =	simm.s32 $0x10400;
	s4 =	sand.u32 $0x1, s4  }
0x7: {  	s8 =	sshll.u32 s2, $0xA;
	s7 =	ssub.s32 $0x2, s4;
	s4 =	sshll.u32 s4, $0x9  }
0x8: {  	s13 =	simm.s32 $0x0;
	[smem:$0x7FF] =	sst s3;
	s4 =	sor.u32 s4, s8  }
0x9: {  	_ =	strace $0x80000047;
	s9 =	sshrl.u32 s7, $0x1;
	s8 =	sshrl.u32 s4, $0x3  }
0xa: {  	v0 =	vlaneseq.u32;
	s7 =	ssub.s32 s7, s9;
	s9 =	simm.s32 $0x1;
	s5 =	sadd.s32 s5, s8  }
0xb: {  	v1 =	vmul.u32 $0x80, v0;
	s6 =	sadd.s32 s6, s8;
	s7 =	smax.u32 s7, $0x1;
	s8 =	simm.s32 $0x2  }
.LBB2_1:
0xc: {  	[tilespmem:s3], [sflag:$0x2] =	stream.linear.gather [hbm4b:s5+s3], $0x200, $0x38;
	[tilespmem:$0x10600] =	vst v63  }
0xd: {  	_ =	swait.ge [sflag:s8], $0x200  }
0xe: {  	[sflag:s8] =	ssyncset.done $0x0  }
0xf: {  	[sflag:s8] =	ssyncadd.s32 $0xFFFFFE00  }
0x10: {  	s14 =	sand.u32 $0x7, s3;
	v2 =	vld [tilespmem:s3+$0x0]  }
0x11: {  	p0 =	seq.s32 s4, $0x0;
	p1 =	sne.s32 s14, $0x0  }
0x12: {  	p0 =	por !p1, !p0  }
0x13: {  	s14 =	simm.s32 $0x1;
	p0 =	por !p0, !p0  }
0x14: {  	s15 =	sshrl.u32 s4, $0x7;
	s14 =	simm.s32 @!p0 $0x0  }
0x15: {  	s14 =	ssub.s32 s15, s14;
	v3 =	vshll.u32 v2, $0x7  }
0x16: {  	s14 =	sshll.u32 s14, $0x3;
	v3 =	vand.u32 $0xFFFFFC00, v3  }
0x17: {  	v2 =	vand.u32 $0x7, v2;
	v3 =	vadd.s32 s14, v3  }
0x18: {  	v2 =	vor.u32 v2, v3  }
0x19: {  	s31 =	simm.s32 $0x1;
	s16 =	simm.s32 $0x10;
	s17 =	simm.s32 $0x2;
	[tilespmem:s10+$0x0] =	vst v2  }
0x1a: {  	s18 =	sand.u32 $0x7, s31;
	s15 =	sadd.s32 $0x10, s4;
	s14 =	simm.s32 $0x200;
	v2 =	vld [tilespmem:s16+$0x0]  }
.LBB2_2:
0x1b: {  	p0 =	sne.s32 s17, $0x1F;
	p1 =	seq.s32 s15, $0x0;
	p2 =	sne.s32 s18, $0x0  }
0x1c: {  	p1 =	por !p2, !p1  }
0x1d: {  	s19 =	simm.s32 $0x1;
	p1 =	por !p1, !p1  }
0x1e: {  	s18 =	sshrl.u32 s15, $0x7;
	s19 =	simm.s32 @!p1 $0x0  }
0x1f: {  	v3 =	vshll.u32 v2, $0x7;
	s18 =	ssub.s32 s18, s19  }
.Ltmp0:
0x20: {  	v3 =	vand.u32 $0xFFFFFC00, v3;
	s18 =	sshll.u32 s18, $0x3;
	(pc) =	sbr.rel @p0 .LBB2_2-.Ltmp0, $4  }
0x21: {  	v2 =	vand.u32 $0x7, v2;
	v3 =	vadd.s32 s18, v3  }
0x22: {  	s14 =	sadd.s32 $0x10, s14;
	v2 =	vor.u32 v2, v3  }
0x23: {  	s16 =	sadd.s32 $0x10, s16;
	[tilespmem:s14+$0x0] =	vst v2  }
0x24: {  	s15 =	sadd.s32 $0x10, s15;
	s18 =	sand.u32 $0x7, s17;
	s17 =	sadd.s32 $0x1, s17;
	v2 =	vld [tilespmem:s16+$0x0]  }
0x25: {  	p0 =	seq.s32 s15, $0x0;
	p1 =	sne.s32 s18, $0x0  }
0x26: {  	p0 =	por !p1, !p0  }
0x27: {  	s16 =	simm.s32 $0x1;
	p0 =	por !p0, !p0  }
0x28: {  	s29 =	sshrl.u32 s15, $0x7;
	s17 =	simm.s32 $0x0;
	s16 =	simm.s32 @!p0 $0x0  }
0x29: {  	v4 =	vmov s17;
	s15 =	ssub.s32 s29, s16;
	v3 =	vshll.u32 v2, $0x7  }
0x2a: {  	v4 =	vshll.u32 v4, $0x7;
	v3 =	vand.u32 $0xFFFFFC00, v3;
	s15 =	sshll.u32 s15, $0x3  }
0x2b: {  	s30 =	sand.u32 $0x70, s17;
	v4 =	vor.u32 v1, v4;
	v2 =	vand.u32 $0x7, v2;
	v3 =	vadd.s32 s15, v3  }
0x2c: {  	s14 =	sadd.s32 $0x10, s14;
	v2 =	vor.u32 v2, v3;
	v3 =	vor.u32 s30, v4  }
0x2d: {  	s31 =	simm.s32 $0x10;
	[tilespmem:s14+$0x0] =	vst v2;
	v2 =	vor.u32 v0, v3  }
0x2e: {  	[tilespmem:s11], [sflag:$0x1] =	stream.indirect.gather [hbm4b:s1+s10], $0x80, s10, s10, $0xb8;
	[tilespmem:$0x10600] =	vst v63  }
0x2f: {  	v3 =	vmov s31;
	_ =	swait.ge [sflag:s9], $0x10000  }
0x30: {  	v3 =	vshll.u32 v3, $0x7;
	[sflag:s9] =	ssyncset.done $0x0  }
0x31: {  	s14 =	sand.u32 $0x70, s31;
	v3 =	vor.u32 v1, v3;
	[sflag:s9] =	ssyncadd.s32 $0xFFFF0000  }
0x32: {  	v4 =	vor.u32 s14, v3;
	v3 =	vld.idx.msk [tilespmem:v2+s11+$0x0], $0xffff  }
0x33: {  	v2 =	vor.u32 v0, v4;
	_ =	sdelay $0x1  }
0x34: {  	s15 =	simm.s32 $0x20  }
0x35: {  	s16 =	simm.s32 $0x30;
	s14 =	simm.s32 $0x10400;
	v4 =	vmov s15  }
.LBB2_4:
0x36: {  	p0 =	sne.s32 s16, $0x1F0;
	v4 =	vshll.u32 v4, $0x7;
	[tilespmem:s14+$0x0] =	vst v3  }
0x37: {  	s17 =	sand.u32 $0x70, s15;
	s15 =	smov.u32 s16;
	v4 =	vor.u32 v1, v4;
	v3 =	vld.idx.msk [tilespmem:v2+s11+$0x0], $0xffff  }
.Ltmp1:
0x38: {  	v2 =	vor.u32 s17, v4;
	(pc) =	sbr.rel @p0 .LBB2_4-.Ltmp1, $2  }
0x39: {  	v2 =	vor.u32 v0, v2;
	_ =	sdelay $0x2  }
0x3a: {  	s16 =	sadd.s32 $0x10, s16;
	s14 =	sadd.s32 $0x10, s14;
	v4 =	vmov s15  }
0x3b: {  	_ =	sdelay $0x1  }
0x3c: {  	v4 =	vshll.u32 v4, $0x7  }
0x3d: {  	[tilespmem:s14+$0x0] =	vst v3;
	s15 =	sand.u32 $0x70, s15;
	v3 =	vor.u32 v1, v4  }
0x3e: {  	v2 =	vld.idx.msk [tilespmem:v2+s11+$0x0], $0xffff;
	v3 =	vor.u32 s15, v3  }
0x3f: {  	v3 =	vor.u32 v0, v3;
	_ =	sdelay $0x2  }
0x40: {  	s31 =	sadd.s32 $0x10, s14  }
0x41: {  	[tilespmem:s31+$0x0] =	vst v2  }
0x42: {  	v2 =	vld.idx.msk [tilespmem:v3+s11+$0x0], $0xffff;
	_ =	sdelay $0x2  }
0x43: {  	s13 =	sadd.s32 $0x1, s13  }
0x44: {  	s14 =	sadd.s32 $0x10, s31;
	p0 =	sne.s32 s13, s7  }
.Ltmp2:
0x45: {  	[tilespmem:s14+$0x0] =	vst v2;
	(pc) =	sbr.rel @p0 .LBB2_1-.Ltmp2, $4  }
0x46: {  	[hbm4b:s6+s3] =	stream.linear.scatter [tilespmem:s12], [sflag:$0x2], $0x200, $0x38;
	[tilespmem:$0x10600] =	vst v63  }
0x47: {  	_ =	swait.ge [sflag:s8], $0x200  }
0x48: {  	[sflag:s8] =	ssyncset.done $0x0  }
0x49: {  	[sflag:s8] =	ssyncadd.s32 $0xFFFFFE00  }
0x4a: {  	_ =	sfence.sel $0x180000  }
0x4b: {  	[bflag:$0x0] =	sbarrier.arrive $0xFFFF  }
0x4c: {  	p0 =	sne.s32 s2, $0x0;
	_ =	strace $0x90000047  }
0x4d: {  	s0 =	sadd.s32 @!p0 $0x100000, s0;
	[bflag:$0x2] =	sbarrier.arrive $0xFFFF  }
0x4e: {  	[sflag:s0] =	ssyncadd.tile.s32 @!p0 $0x1;
	_ =	shalt  }
.Lfunc_end2:
_tile_overlayer_lowered:
.L_overlay_start_2:
0x4f: {  	(tag) =	ssettag $0x2  }
0x50: {  	s0 =	rddreg [dreg:$0x0];
	s2 =	stileid.u32  }
0x51: {  	s1 =	rddreg [dreg:$0x1];
	p0 =	sne.s32 s2, $0x0  }
0x52: {  	s3 =	rddreg [dreg:$0x2];
	[bflag:$0x3] =	sbarrier.arrive $0xFFFF;
	s2 =	simm.s32 @!p0 $0x1C02  }
0x53: {  	[timem:s3], [sflag:s2] =	dma.local @!p0 [hbm:s0], s1  }
0x54: {  	s0 =	simm.s32 @!p0 $0x2  }
0x55: {  	_ =	swait.ge @!p0 [sflag:s0], s1  }
0x56: {  	s1 =	ssub.s32 @!p0 $0x0, s1;
	[sflag:s0] =	ssyncset.done @!p0 $0x0  }
0x57: {  	[sflag:s0] =	ssyncadd.s32 @!p0 s1  }
0x58: {  	[bflag:$0x3] =	sbarrier.arrive $0xFFFF  }
0x59: {  	_ =	shalt  }

</sc_bundles>
